<compile_context>
chip_gen: v7x
topology: tpu7x:2x2x1
jax: 0.10.2.dev20260603
libtpu: 0.0.44.dev20260713+nightly
codegen_flags: <defaults>
</compile_context>

<pallas_src>
import functools

import jax
import jax.numpy as jnp
from jax import lax
from jax.experimental import pallas as pl
from jax.experimental.pallas import tpu as pltpu
from jax.experimental.pallas import tpu_sc as plsc



_SPAN = 4096


def _bf16(a):
    return a.astype(jnp.bfloat16)


def _bf16_rt(a):
    return a.astype(jnp.bfloat16).astype(jnp.float32)


def _encode_block(x_ref, w1_ref, b1_ref, w2_ref, b2_ref, cbt_ref, zid_ref):
    h = jnp.tanh(
        jnp.dot(_bf16(x_ref[...]), _bf16(w1_ref[...]),
                preferred_element_type=jnp.float32)
        + b1_ref[...]
    )
    z = (
        jnp.dot(_bf16(h), _bf16(w2_ref[...]),
                preferred_element_type=jnp.float32)
        + b2_ref[...]
    )
    cbt = cbt_ref[...]
    cbsq = jnp.sum(cbt * cbt, axis=0)
    zsq = jnp.sum(z * z, axis=1, keepdims=True)
    mm = jnp.dot(_bf16(z), _bf16(cbt), preferred_element_type=jnp.float32)
    dist = zsq - 2.0 * mm + cbsq[None, :]

    k = dist.shape[1]
    acc = None
    idx = None
    for c in range(k // _SPAN):
        dc = dist[:, c * _SPAN:(c + 1) * _SPAN]
        m = jnp.min(dc, axis=1, keepdims=True)
        iota = lax.broadcasted_iota(jnp.int32, dc.shape, 1)
        im = jnp.min(jnp.where(dc <= m, iota, jnp.int32(_SPAN)), axis=1)
        gi = im + jnp.int32(c * _SPAN)
        mv = m[:, 0]
        if acc is None:
            acc, idx = _bf16_rt(mv), gi
        else:
            take = mv < acc
            acc = jnp.where(take, _bf16_rt(mv), acc)
            idx = jnp.where(take, gi, idx)
    zid_ref[...] = idx


def _encode_argmin(xf, W1, b1, W2, b2, cbT, block_rows):
    n, d_in = xf.shape
    d_h, k = cbT.shape
    grid = (n // block_rows,)
    return pl.pallas_call(
        _encode_block,
        grid=grid,
        in_specs=[
            pl.BlockSpec((block_rows, d_in), lambda i: (i, 0)),
            pl.BlockSpec((d_in, d_h), lambda i: (0, 0)),
            pl.BlockSpec((1, d_h), lambda i: (0, 0)),
            pl.BlockSpec((d_h, d_h), lambda i: (0, 0)),
            pl.BlockSpec((1, d_h), lambda i: (0, 0)),
            pl.BlockSpec((d_h, k), lambda i: (0, 0)),
        ],
        out_specs=pl.BlockSpec((block_rows,), lambda i: (i,)),
        out_shape=jax.ShapeDtypeStruct((n,), jnp.int32),
    )(xf, W1, b1.reshape(1, d_h), W2, b2.reshape(1, d_h), cbT)



_SC_CHUNK = 128
_SC_ROW = 128


@functools.cache
def _make_sc_gather(n_rows):
    d_h = _SC_ROW
    info = plsc.get_sparse_core_info()
    nw = info.num_cores * info.num_subcores
    rows_per_w = n_rows // nw
    chunks = rows_per_w // _SC_CHUNK
    mesh = plsc.VectorSubcoreMesh(core_axis_name="c", subcore_axis_name="s")

    @functools.partial(
        pl.kernel,
        mesh=mesh,
        out_type=jax.ShapeDtypeStruct((n_rows, d_h), jnp.float32),
        scratch_types=[
            pltpu.VMEM((_SC_CHUNK,), jnp.int32),
            pltpu.VMEM((_SC_CHUNK, d_h), jnp.float32),
            pltpu.SemaphoreType.DMA,
        ],
    )
    def gather(table_hbm, idx_hbm, out_hbm, idx_v, rows_v, sem):
        wid = lax.axis_index("s") * info.num_cores + lax.axis_index("c")
        for c in range(chunks):
            row = wid * chunks + c
            pltpu.sync_copy(idx_hbm.at[row], idx_v)
            pltpu.async_copy(table_hbm.at[idx_v], rows_v, sem).wait()
            pltpu.sync_copy(
                rows_v, out_hbm.at[pl.ds(row * _SC_CHUNK, _SC_CHUNK)]
            )

    return gather



def kernel(x, W1, b1, W2, b2, codebook):
    b, t, d_in = x.shape
    k, d_h = codebook.shape
    n = b * t
    xf = x.reshape(n, d_in)
    cbT = codebook.T
    zid = _encode_argmin(xf, W1, b1, W2, b2, cbT, block_rows=512)
    idx2d = zid.reshape(n // _SC_CHUNK, _SC_CHUNK)
    cb_pad = jnp.pad(codebook, ((0, 0), (0, _SC_ROW - d_h)))
    zq = _make_sc_gather(n)(cb_pad, idx2d)
    return zq[:, :d_h].reshape(b, t, d_h), zid.reshape(b, t)

# --- scband reference (transcript-rebuilt; emitter-appended) ---
"""Pipeline reference for scband-simple-quantized-encoding-module-27625229648015 (READ-ONLY COPY).

The authoritative reference and input builder live on the scoring server;
editing this copy changes nothing except your own understanding.
"""

import jax, jax.numpy as jnp
import numpy as np


def setup_inputs(seed: int = 0) -> dict:
    key = jax.random.key(seed)
    k_x, k_w1, k_w2, k_cb = jax.random.split(key, 4)
    B, T, D_in, D_h, K = 16, 1024, 256, 64, 8192
    x = jax.random.normal(k_x, (B, T, D_in), dtype=jnp.float32)
    W1 = jax.random.normal(k_w1, (D_in, D_h), dtype=jnp.float32) * (1.0 / np.sqrt(D_in))
    b1 = jnp.zeros((D_h,), dtype=jnp.float32)
    W2 = jax.random.normal(k_w2, (D_h, D_h), dtype=jnp.float32) * (1.0 / np.sqrt(D_h))
    b2 = jnp.zeros((D_h,), dtype=jnp.float32)
    codebook = jax.random.normal(k_cb, (K, D_h), dtype=jnp.float32) * (1.0 / np.sqrt(K))
    return {"x": x, "W1": W1, "b1": b1, "W2": W2, "b2": b2, "codebook": codebook}


def reference(x, W1, b1, W2, b2, codebook):
    # MLP: Linear(input_dim, hidden) -> tanh -> Linear(hidden, hidden), last_activation=False
    h = jnp.tanh(jnp.dot(x, W1) + b1)
    z = jnp.dot(h, W2) + b2
    # VectorQuantizer (vq-multistage, stage 3, eval): nearest-codebook lookup
    D_h = z.shape[-1]
    flat = z.reshape(-1, D_h)
    # squared L2 distances: ||z||^2 - 2 z e^T + ||e||^2
    dist = (jnp.sum(flat * flat, axis=1, keepdims=True)
            - 2.0 * jnp.dot(flat, codebook.T)
            + jnp.sum(codebook * codebook, axis=1)[None, :])
    z_id = jnp.argmin(dist, axis=1)
    z_q = jnp.take(codebook, z_id, axis=0).reshape(z.shape)
    z_id = z_id.reshape(z.shape[:-1])
    return z_q, z_id

if __name__ == "__main__":
    import jax
    _d = setup_inputs()
    print(jax.jit(kernel)(*tuple(_d.values())))

</pallas_src>

<mosaic_0001>
#map = affine_map<(d0, d1) -> (0, 0)>
module attributes {stable_mosaic.version = 14 : i64} {
  func.func @gather(%arg0: i32, %arg1: i32, %arg2: memref<8192x128xf32, #tpu.memory_space<hbm>>, %arg3: memref<128x128xi32, #tpu.memory_space<hbm>>, %arg4: memref<16384x128xf32, #tpu.memory_space<hbm>>, %arg5: memref<128xi32, #tpu.memory_space<vmem>>, %arg6: memref<128x128xf32, #tpu.memory_space<vmem>>, %arg7: memref<!tpu.dma_semaphore, #tpu.memory_space<semaphore_mem>>) attributes {dimension_semantics = [#tpu.dimension_semantics<core_parallel>, #tpu.dimension_semantics<subcore_parallel>], iteration_bounds = array<i64: 2, 16>, scalar_prefetch = 0 : i64, scratch_operands = 3 : i64, tpu.core_type = #tpu.core_type<sc_vector_subcore>, window_params = [{transform_indices = #map}, {transform_indices = #map}, {transform_indices = #map}]} {
    %mul3A = arith.constant 2 : i32
    %mul3A_0 = arith.muli %arg1, %mul3A : i32
    %add3A = arith.addi %mul3A_0, %arg0 : i32
    %mul3A_1 = arith.constant 4 : i32
    %mul3A_2 = arith.muli %add3A, %mul3A_1 : i32
    %add3A_3 = arith.constant 0 : i32
    %add3A_4 = arith.addi %mul3A_2, %add3A_3 : i32
    "tpu.region"() ({
      %run_scoped3A = tpu.sem_alloc : memref<!tpu.dma_semaphore, #tpu.memory_space<semaphore_mem>>
      %dma_start3A_47 = arith.constant 0 : i32
      %dma_start3A_48 = tpu.memref_slice %arg3[%add3A_4, %dma_start3A_47] : memref<128x128xi32, #tpu.memory_space<hbm>> -> memref<1x128xi32, #tpu.memory_space<hbm>>
      %dma_start3A_49 = tpu.memref_squeeze %dma_start3A_48 : memref<1x128xi32, #tpu.memory_space<hbm>> -> memref<128xi32, #tpu.memory_space<hbm>>
      %dma_start3A_50 = arith.constant 0 : i32
      %dma_start3A_51 = tpu.memref_slice %arg3[%add3A_4, %dma_start3A_50] : memref<128x128xi32, #tpu.memory_space<hbm>> -> memref<1x128xi32, #tpu.memory_space<hbm>>
      %dma_start3A_52 = tpu.memref_squeeze %dma_start3A_51 : memref<1x128xi32, #tpu.memory_space<hbm>> -> memref<128xi32, #tpu.memory_space<hbm>>
      tpu.enqueue_dma source(%dma_start3A_52 : memref<128xi32, #tpu.memory_space<hbm>>) target(%arg5 : memref<128xi32, #tpu.memory_space<vmem>>) target_semaphore(%run_scoped3A : memref<!tpu.dma_semaphore, #tpu.memory_space<semaphore_mem>>)
      %dma_wait3A_53 = arith.constant 0 : i32
      %dma_wait3A_54 = tpu.memref_slice %arg3[%add3A_4, %dma_wait3A_53] : memref<128x128xi32, #tpu.memory_space<hbm>> -> memref<1x128xi32, #tpu.memory_space<hbm>>
      %dma_wait3A_55 = tpu.memref_squeeze %dma_wait3A_54 : memref<1x128xi32, #tpu.memory_space<hbm>> -> memref<128xi32, #tpu.memory_space<hbm>>
      %dma_wait3A_56 = arith.constant 0 : i32
      %dma_wait3A_57 = tpu.memref_slice %arg3[%add3A_4, %dma_wait3A_56] : memref<128x128xi32, #tpu.memory_space<hbm>> -> memref<1x128xi32, #tpu.memory_space<hbm>>
      %dma_wait3A_58 = tpu.memref_squeeze %dma_wait3A_57 : memref<1x128xi32, #tpu.memory_space<hbm>> -> memref<128xi32, #tpu.memory_space<hbm>>
      tpu.wait_dma2 semaphore(%run_scoped3A : memref<!tpu.dma_semaphore, #tpu.memory_space<semaphore_mem>>) src(%dma_wait3A_58 : memref<128xi32, #tpu.memory_space<hbm>>) dst(%arg5 : memref<128xi32, #tpu.memory_space<vmem>>)
      tpu.yield
    }) : () -> ()
    %dma_start3A = arith.constant 0 : i32
    %dma_start3A_5 = arith.constant 0 : i32
    %dma_start3A_6 = tpu.memref_slice %arg2[%dma_start3A, %dma_start3A_5] : memref<8192x128xf32, #tpu.memory_space<hbm>> -> memref<8192x128xf32, #tpu.memory_space<hbm>>
    tpu.enqueue_indirect_dma source(%dma_start3A_6 : memref<8192x128xf32, #tpu.memory_space<hbm>>) target(%arg6 : memref<128x128xf32, #tpu.memory_space<vmem>>) offsets(%arg5 : memref<128xi32, #tpu.memory_space<vmem>>) semaphore(%arg7 : memref<!tpu.dma_semaphore, #tpu.memory_space<semaphore_mem>>)
    %dma_wait3A = arith.constant 0 : i32
    %dma_wait3A_7 = arith.constant 0 : i32
    %dma_wait3A_8 = tpu.memref_slice %arg2[%dma_wait3A, %dma_wait3A_7] : memref<8192x128xf32, #tpu.memory_space<hbm>> -> memref<8192x128xf32, #tpu.memory_space<hbm>>
    tpu.wait_indirect_dma semaphore(%arg7 : memref<!tpu.dma_semaphore, #tpu.memory_space<semaphore_mem>>) src(%dma_wait3A_8 : memref<8192x128xf32, #tpu.memory_space<hbm>>) dst(%arg6 : memref<128x128xf32, #tpu.memory_space<vmem>>)
    %mul3A_9 = arith.constant 128 : i32
    %mul3A_10 = arith.muli %add3A_4, %mul3A_9 : i32
    "tpu.region"() ({
      %run_scoped3A = tpu.sem_alloc : memref<!tpu.dma_semaphore, #tpu.memory_space<semaphore_mem>>
      %dma_start3A_47 = arith.constant 0 : i32
      %dma_start3A_48 = tpu.memref_slice %arg4[%mul3A_10, %dma_start3A_47] : memref<16384x128xf32, #tpu.memory_space<hbm>> -> memref<128x128xf32, #tpu.memory_space<hbm>>
      %dma_start3A_49 = arith.constant 0 : i32
      %dma_start3A_50 = tpu.memref_slice %arg4[%mul3A_10, %dma_start3A_49] : memref<16384x128xf32, #tpu.memory_space<hbm>> -> memref<128x128xf32, #tpu.memory_space<hbm>>
      tpu.enqueue_dma source(%arg6 : memref<128x128xf32, #tpu.memory_space<vmem>>) target(%dma_start3A_50 : memref<128x128xf32, #tpu.memory_space<hbm>>) target_semaphore(%run_scoped3A : memref<!tpu.dma_semaphore, #tpu.memory_space<semaphore_mem>>)
      %dma_wait3A_51 = arith.constant 0 : i32
      %dma_wait3A_52 = tpu.memref_slice %arg4[%mul3A_10, %dma_wait3A_51] : memref<16384x128xf32, #tpu.memory_space<hbm>> -> memref<128x128xf32, #tpu.memory_space<hbm>>
      %dma_wait3A_53 = arith.constant 0 : i32
      %dma_wait3A_54 = tpu.memref_slice %arg4[%mul3A_10, %dma_wait3A_53] : memref<16384x128xf32, #tpu.memory_space<hbm>> -> memref<128x128xf32, #tpu.memory_space<hbm>>
      tpu.wait_dma2 semaphore(%run_scoped3A : memref<!tpu.dma_semaphore, #tpu.memory_space<semaphore_mem>>) src(%arg6 : memref<128x128xf32, #tpu.memory_space<vmem>>) dst(%dma_wait3A_54 : memref<128x128xf32, #tpu.memory_space<hbm>>)
      tpu.yield
    }) : () -> ()
    %mul3A_11 = arith.constant 4 : i32
    %mul3A_12 = arith.muli %add3A, %mul3A_11 : i32
    %add3A_13 = arith.constant 1 : i32
    %add3A_14 = arith.addi %mul3A_12, %add3A_13 : i32
    "tpu.region"() ({
      %run_scoped3A = tpu.sem_alloc : memref<!tpu.dma_semaphore, #tpu.memory_space<semaphore_mem>>
      %dma_start3A_47 = arith.constant 0 : i32
      %dma_start3A_48 = tpu.memref_slice %arg3[%add3A_14, %dma_start3A_47] : memref<128x128xi32, #tpu.memory_space<hbm>> -> memref<1x128xi32, #tpu.memory_space<hbm>>
      %dma_start3A_49 = tpu.memref_squeeze %dma_start3A_48 : memref<1x128xi32, #tpu.memory_space<hbm>> -> memref<128xi32, #tpu.memory_space<hbm>>
      %dma_start3A_50 = arith.constant 0 : i32
      %dma_start3A_51 = tpu.memref_slice %arg3[%add3A_14, %dma_start3A_50] : memref<128x128xi32, #tpu.memory_space<hbm>> -> memref<1x128xi32, #tpu.memory_space<hbm>>
      %dma_start3A_52 = tpu.memref_squeeze %dma_start3A_51 : memref<1x128xi32, #tpu.memory_space<hbm>> -> memref<128xi32, #tpu.memory_space<hbm>>
      tpu.enqueue_dma source(%dma_start3A_52 : memref<128xi32, #tpu.memory_space<hbm>>) target(%arg5 : memref<128xi32, #tpu.memory_space<vmem>>) target_semaphore(%run_scoped3A : memref<!tpu.dma_semaphore, #tpu.memory_space<semaphore_mem>>)
      %dma_wait3A_53 = arith.constant 0 : i32
      %dma_wait3A_54 = tpu.memref_slice %arg3[%add3A_14, %dma_wait3A_53] : memref<128x128xi32, #tpu.memory_space<hbm>> -> memref<1x128xi32, #tpu.memory_space<hbm>>
      %dma_wait3A_55 = tpu.memref_squeeze %dma_wait3A_54 : memref<1x128xi32, #tpu.memory_space<hbm>> -> memref<128xi32, #tpu.memory_space<hbm>>
      %dma_wait3A_56 = arith.constant 0 : i32
      %dma_wait3A_57 = tpu.memref_slice %arg3[%add3A_14, %dma_wait3A_56] : memref<128x128xi32, #tpu.memory_space<hbm>> -> memref<1x128xi32, #tpu.memory_space<hbm>>
      %dma_wait3A_58 = tpu.memref_squeeze %dma_wait3A_57 : memref<1x128xi32, #tpu.memory_space<hbm>> -> memref<128xi32, #tpu.memory_space<hbm>>
      tpu.wait_dma2 semaphore(%run_scoped3A : memref<!tpu.dma_semaphore, #tpu.memory_space<semaphore_mem>>) src(%dma_wait3A_58 : memref<128xi32, #tpu.memory_space<hbm>>) dst(%arg5 : memref<128xi32, #tpu.memory_space<vmem>>)
      tpu.yield
    }) : () -> ()
    %dma_start3A_15 = arith.constant 0 : i32
    %dma_start3A_16 = arith.constant 0 : i32
    %dma_start3A_17 = tpu.memref_slice %arg2[%dma_start3A_15, %dma_start3A_16] : memref<8192x128xf32, #tpu.memory_space<hbm>> -> memref<8192x128xf32, #tpu.memory_space<hbm>>
    tpu.enqueue_indirect_dma source(%dma_start3A_17 : memref<8192x128xf32, #tpu.memory_space<hbm>>) target(%arg6 : memref<128x128xf32, #tpu.memory_space<vmem>>) offsets(%arg5 : memref<128xi32, #tpu.memory_space<vmem>>) semaphore(%arg7 : memref<!tpu.dma_semaphore, #tpu.memory_space<semaphore_mem>>)
    %dma_wait3A_18 = arith.constant 0 : i32
    %dma_wait3A_19 = arith.constant 0 : i32
    %dma_wait3A_20 = tpu.memref_slice %arg2[%dma_wait3A_18, %dma_wait3A_19] : memref<8192x128xf32, #tpu.memory_space<hbm>> -> memref<8192x128xf32, #tpu.memory_space<hbm>>
    tpu.wait_indirect_dma semaphore(%arg7 : memref<!tpu.dma_semaphore, #tpu.memory_space<semaphore_mem>>) src(%dma_wait3A_20 : memref<8192x128xf32, #tpu.memory_space<hbm>>) dst(%arg6 : memref<128x128xf32, #tpu.memory_space<vmem>>)
    %mul3A_21 = arith.constant 128 : i32
    %mul3A_22 = arith.muli %add3A_14, %mul3A_21 : i32
    "tpu.region"() ({
      %run_scoped3A = tpu.sem_alloc : memref<!tpu.dma_semaphore, #tpu.memory_space<semaphore_mem>>
      %dma_start3A_47 = arith.constant 0 : i32
      %dma_start3A_48 = tpu.memref_slice %arg4[%mul3A_22, %dma_start3A_47] : memref<16384x128xf32, #tpu.memory_space<hbm>> -> memref<128x128xf32, #tpu.memory_space<hbm>>
      %dma_start3A_49 = arith.constant 0 : i32
      %dma_start3A_50 = tpu.memref_slice %arg4[%mul3A_22, %dma_start3A_49] : memref<16384x128xf32, #tpu.memory_space<hbm>> -> memref<128x128xf32, #tpu.memory_space<hbm>>
      tpu.enqueue_dma source(%arg6 : memref<128x128xf32, #tpu.memory_space<vmem>>) target(%dma_start3A_50 : memref<128x128xf32, #tpu.memory_space<hbm>>) target_semaphore(%run_scoped3A : memref<!tpu.dma_semaphore, #tpu.memory_space<semaphore_mem>>)
      %dma_wait3A_51 = arith.constant 0 : i32
      %dma_wait3A_52 = tpu.memref_slice %arg4[%mul3A_22, %dma_wait3A_51] : memref<16384x128xf32, #tpu.memory_space<hbm>> -> memref<128x128xf32, #tpu.memory_space<hbm>>
      %dma_wait3A_53 = arith.constant 0 : i32
      %dma_wait3A_54 = tpu.memref_slice %arg4[%mul3A_22, %dma_wait3A_53] : memref<16384x128xf32, #tpu.memory_space<hbm>> -> memref<128x128xf32, #tpu.memory_space<hbm>>
      tpu.wait_dma2 semaphore(%run_scoped3A : memref<!tpu.dma_semaphore, #tpu.memory_space<semaphore_mem>>) src(%arg6 : memref<128x128xf32, #tpu.memory_space<vmem>>) dst(%dma_wait3A_54 : memref<128x128xf32, #tpu.memory_space<hbm>>)
      tpu.yield
    }) : () -> ()
    %mul3A_23 = arith.constant 4 : i32
    %mul3A_24 = arith.muli %add3A, %mul3A_23 : i32
    %add3A_25 = arith.constant 2 : i32
    %add3A_26 = arith.addi %mul3A_24, %add3A_25 : i32
    "tpu.region"() ({
      %run_scoped3A = tpu.sem_alloc : memref<!tpu.dma_semaphore, #tpu.memory_space<semaphore_mem>>
      %dma_start3A_47 = arith.constant 0 : i32
      %dma_start3A_48 = tpu.memref_slice %arg3[%add3A_26, %dma_start3A_47] : memref<128x128xi32, #tpu.memory_space<hbm>> -> memref<1x128xi32, #tpu.memory_space<hbm>>
      %dma_start3A_49 = tpu.memref_squeeze %dma_start3A_48 : memref<1x128xi32, #tpu.memory_space<hbm>> -> memref<128xi32, #tpu.memory_space<hbm>>
      %dma_start3A_50 = arith.constant 0 : i32
      %dma_start3A_51 = tpu.memref_slice %arg3[%add3A_26, %dma_start3A_50] : memref<128x128xi32, #tpu.memory_space<hbm>> -> memref<1x128xi32, #tpu.memory_space<hbm>>
      %dma_start3A_52 = tpu.memref_squeeze %dma_start3A_51 : memref<1x128xi32, #tpu.memory_space<hbm>> -> memref<128xi32, #tpu.memory_space<hbm>>
      tpu.enqueue_dma source(%dma_start3A_52 : memref<128xi32, #tpu.memory_space<hbm>>) target(%arg5 : memref<128xi32, #tpu.memory_space<vmem>>) target_semaphore(%run_scoped3A : memref<!tpu.dma_semaphore, #tpu.memory_space<semaphore_mem>>)
      %dma_wait3A_53 = arith.constant 0 : i32
      %dma_wait3A_54 = tpu.memref_slice %arg3[%add3A_26, %dma_wait3A_53] : memref<128x128xi32, #tpu.memory_space<hbm>> -> memref<1x128xi32, #tpu.memory_space<hbm>>
      %dma_wait3A_55 = tpu.memref_squeeze %dma_wait3A_54 : memref<1x128xi32, #tpu.memory_space<hbm>> -> memref<128xi32, #tpu.memory_space<hbm>>
      %dma_wait3A_56 = arith.constant 0 : i32
      %dma_wait3A_57 = tpu.memref_slice %arg3[%add3A_26, %dma_wait3A_56] : memref<128x128xi32, #tpu.memory_space<hbm>> -> memref<1x128xi32, #tpu.memory_space<hbm>>
      %dma_wait3A_58 = tpu.memref_squeeze %dma_wait3A_57 : memref<1x128xi32, #tpu.memory_space<hbm>> -> memref<128xi32, #tpu.memory_space<hbm>>
      tpu.wait_dma2 semaphore(%run_scoped3A : memref<!tpu.dma_semaphore, #tpu.memory_space<semaphore_mem>>) src(%dma_wait3A_58 : memref<128xi32, #tpu.memory_space<hbm>>) dst(%arg5 : memref<128xi32, #tpu.memory_space<vmem>>)
      tpu.yield
    }) : () -> ()
    %dma_start3A_27 = arith.constant 0 : i32
    %dma_start3A_28 = arith.constant 0 : i32
    %dma_start3A_29 = tpu.memref_slice %arg2[%dma_start3A_27, %dma_start3A_28] : memref<8192x128xf32, #tpu.memory_space<hbm>> -> memref<8192x128xf32, #tpu.memory_space<hbm>>
    tpu.enqueue_indirect_dma source(%dma_start3A_29 : memref<8192x128xf32, #tpu.memory_space<hbm>>) target(%arg6 : memref<128x128xf32, #tpu.memory_space<vmem>>) offsets(%arg5 : memref<128xi32, #tpu.memory_space<vmem>>) semaphore(%arg7 : memref<!tpu.dma_semaphore, #tpu.memory_space<semaphore_mem>>)
    %dma_wait3A_30 = arith.constant 0 : i32
    %dma_wait3A_31 = arith.constant 0 : i32
    %dma_wait3A_32 = tpu.memref_slice %arg2[%dma_wait3A_30, %dma_wait3A_31] : memref<8192x128xf32, #tpu.memory_space<hbm>> -> memref<8192x128xf32, #tpu.memory_space<hbm>>
    tpu.wait_indirect_dma semaphore(%arg7 : memref<!tpu.dma_semaphore, #tpu.memory_space<semaphore_mem>>) src(%dma_wait3A_32 : memref<8192x128xf32, #tpu.memory_space<hbm>>) dst(%arg6 : memref<128x128xf32, #tpu.memory_space<vmem>>)
    %mul3A_33 = arith.constant 128 : i32
    %mul3A_34 = arith.muli %add3A_26, %mul3A_33 : i32
    "tpu.region"() ({
      %run_scoped3A = tpu.sem_alloc : memref<!tpu.dma_semaphore, #tpu.memory_space<semaphore_mem>>
      %dma_start3A_47 = arith.constant 0 : i32
      %dma_start3A_48 = tpu.memref_slice %arg4[%mul3A_34, %dma_start3A_47] : memref<16384x128xf32, #tpu.memory_space<hbm>> -> memref<128x128xf32, #tpu.memory_space<hbm>>
      %dma_start3A_49 = arith.constant 0 : i32
      %dma_start3A_50 = tpu.memref_slice %arg4[%mul3A_34, %dma_start3A_49] : memref<16384x128xf32, #tpu.memory_space<hbm>> -> memref<128x128xf32, #tpu.memory_space<hbm>>
      tpu.enqueue_dma source(%arg6 : memref<128x128xf32, #tpu.memory_space<vmem>>) target(%dma_start3A_50 : memref<128x128xf32, #tpu.memory_space<hbm>>) target_semaphore(%run_scoped3A : memref<!tpu.dma_semaphore, #tpu.memory_space<semaphore_mem>>)
      %dma_wait3A_51 = arith.constant 0 : i32
      %dma_wait3A_52 = tpu.memref_slice %arg4[%mul3A_34, %dma_wait3A_51] : memref<16384x128xf32, #tpu.memory_space<hbm>> -> memref<128x128xf32, #tpu.memory_space<hbm>>
      %dma_wait3A_53 = arith.constant 0 : i32
      %dma_wait3A_54 = tpu.memref_slice %arg4[%mul3A_34, %dma_wait3A_53] : memref<16384x128xf32, #tpu.memory_space<hbm>> -> memref<128x128xf32, #tpu.memory_space<hbm>>
      tpu.wait_dma2 semaphore(%run_scoped3A : memref<!tpu.dma_semaphore, #tpu.memory_space<semaphore_mem>>) src(%arg6 : memref<128x128xf32, #tpu.memory_space<vmem>>) dst(%dma_wait3A_54 : memref<128x128xf32, #tpu.memory_space<hbm>>)
      tpu.yield
    }) : () -> ()
    %mul3A_35 = arith.constant 4 : i32
    %mul3A_36 = arith.muli %add3A, %mul3A_35 : i32
    %add3A_37 = arith.constant 3 : i32
    %add3A_38 = arith.addi %mul3A_36, %add3A_37 : i32
    "tpu.region"() ({
      %run_scoped3A = tpu.sem_alloc : memref<!tpu.dma_semaphore, #tpu.memory_space<semaphore_mem>>
      %dma_start3A_47 = arith.constant 0 : i32
      %dma_start3A_48 = tpu.memref_slice %arg3[%add3A_38, %dma_start3A_47] : memref<128x128xi32, #tpu.memory_space<hbm>> -> memref<1x128xi32, #tpu.memory_space<hbm>>
      %dma_start3A_49 = tpu.memref_squeeze %dma_start3A_48 : memref<1x128xi32, #tpu.memory_space<hbm>> -> memref<128xi32, #tpu.memory_space<hbm>>
      %dma_start3A_50 = arith.constant 0 : i32
      %dma_start3A_51 = tpu.memref_slice %arg3[%add3A_38, %dma_start3A_50] : memref<128x128xi32, #tpu.memory_space<hbm>> -> memref<1x128xi32, #tpu.memory_space<hbm>>
      %dma_start3A_52 = tpu.memref_squeeze %dma_start3A_51 : memref<1x128xi32, #tpu.memory_space<hbm>> -> memref<128xi32, #tpu.memory_space<hbm>>
      tpu.enqueue_dma source(%dma_start3A_52 : memref<128xi32, #tpu.memory_space<hbm>>) target(%arg5 : memref<128xi32, #tpu.memory_space<vmem>>) target_semaphore(%run_scoped3A : memref<!tpu.dma_semaphore, #tpu.memory_space<semaphore_mem>>)
      %dma_wait3A_53 = arith.constant 0 : i32
      %dma_wait3A_54 = tpu.memref_slice %arg3[%add3A_38, %dma_wait3A_53] : memref<128x128xi32, #tpu.memory_space<hbm>> -> memref<1x128xi32, #tpu.memory_space<hbm>>
      %dma_wait3A_55 = tpu.memref_squeeze %dma_wait3A_54 : memref<1x128xi32, #tpu.memory_space<hbm>> -> memref<128xi32, #tpu.memory_space<hbm>>
      %dma_wait3A_56 = arith.constant 0 : i32
      %dma_wait3A_57 = tpu.memref_slice %arg3[%add3A_38, %dma_wait3A_56] : memref<128x128xi32, #tpu.memory_space<hbm>> -> memref<1x128xi32, #tpu.memory_space<hbm>>
      %dma_wait3A_58 = tpu.memref_squeeze %dma_wait3A_57 : memref<1x128xi32, #tpu.memory_space<hbm>> -> memref<128xi32, #tpu.memory_space<hbm>>
      tpu.wait_dma2 semaphore(%run_scoped3A : memref<!tpu.dma_semaphore, #tpu.memory_space<semaphore_mem>>) src(%dma_wait3A_58 : memref<128xi32, #tpu.memory_space<hbm>>) dst(%arg5 : memref<128xi32, #tpu.memory_space<vmem>>)
      tpu.yield
    }) : () -> ()
    %dma_start3A_39 = arith.constant 0 : i32
    %dma_start3A_40 = arith.constant 0 : i32
    %dma_start3A_41 = tpu.memref_slice %arg2[%dma_start3A_39, %dma_start3A_40] : memref<8192x128xf32, #tpu.memory_space<hbm>> -> memref<8192x128xf32, #tpu.memory_space<hbm>>
    tpu.enqueue_indirect_dma source(%dma_start3A_41 : memref<8192x128xf32, #tpu.memory_space<hbm>>) target(%arg6 : memref<128x128xf32, #tpu.memory_space<vmem>>) offsets(%arg5 : memref<128xi32, #tpu.memory_space<vmem>>) semaphore(%arg7 : memref<!tpu.dma_semaphore, #tpu.memory_space<semaphore_mem>>)
    %dma_wait3A_42 = arith.constant 0 : i32
    %dma_wait3A_43 = arith.constant 0 : i32
    %dma_wait3A_44 = tpu.memref_slice %arg2[%dma_wait3A_42, %dma_wait3A_43] : memref<8192x128xf32, #tpu.memory_space<hbm>> -> memref<8192x128xf32, #tpu.memory_space<hbm>>
    tpu.wait_indirect_dma semaphore(%arg7 : memref<!tpu.dma_semaphore, #tpu.memory_space<semaphore_mem>>) src(%dma_wait3A_44 : memref<8192x128xf32, #tpu.memory_space<hbm>>) dst(%arg6 : memref<128x128xf32, #tpu.memory_space<vmem>>)
    %mul3A_45 = arith.constant 128 : i32
    %mul3A_46 = arith.muli %add3A_38, %mul3A_45 : i32
    "tpu.region"() ({
      %run_scoped3A = tpu.sem_alloc : memref<!tpu.dma_semaphore, #tpu.memory_space<semaphore_mem>>
      %dma_start3A_47 = arith.constant 0 : i32
      %dma_start3A_48 = tpu.memref_slice %arg4[%mul3A_46, %dma_start3A_47] : memref<16384x128xf32, #tpu.memory_space<hbm>> -> memref<128x128xf32, #tpu.memory_space<hbm>>
      %dma_start3A_49 = arith.constant 0 : i32
      %dma_start3A_50 = tpu.memref_slice %arg4[%mul3A_46, %dma_start3A_49] : memref<16384x128xf32, #tpu.memory_space<hbm>> -> memref<128x128xf32, #tpu.memory_space<hbm>>
      tpu.enqueue_dma source(%arg6 : memref<128x128xf32, #tpu.memory_space<vmem>>) target(%dma_start3A_50 : memref<128x128xf32, #tpu.memory_space<hbm>>) target_semaphore(%run_scoped3A : memref<!tpu.dma_semaphore, #tpu.memory_space<semaphore_mem>>)
      %dma_wait3A_51 = arith.constant 0 : i32
      %dma_wait3A_52 = tpu.memref_slice %arg4[%mul3A_46, %dma_wait3A_51] : memref<16384x128xf32, #tpu.memory_space<hbm>> -> memref<128x128xf32, #tpu.memory_space<hbm>>
      %dma_wait3A_53 = arith.constant 0 : i32
      %dma_wait3A_54 = tpu.memref_slice %arg4[%mul3A_46, %dma_wait3A_53] : memref<16384x128xf32, #tpu.memory_space<hbm>> -> memref<128x128xf32, #tpu.memory_space<hbm>>
      tpu.wait_dma2 semaphore(%run_scoped3A : memref<!tpu.dma_semaphore, #tpu.memory_space<semaphore_mem>>) src(%arg6 : memref<128x128xf32, #tpu.memory_space<vmem>>) dst(%dma_wait3A_54 : memref<128x128xf32, #tpu.memory_space<hbm>>)
      tpu.yield
    }) : () -> ()
    return
  }
}

module attributes {stable_mosaic.version = 14 : i64} {
  func.func @_encode_block(%arg0: i32, %arg1: memref<512x256xf32, #tpu.memory_space<vmem>>, %arg2: memref<256x64xf32, #tpu.memory_space<vmem>>, %arg3: memref<1x64xf32, #tpu.memory_space<vmem>>, %arg4: memref<64x64xf32, #tpu.memory_space<vmem>>, %arg5: memref<1x64xf32, #tpu.memory_space<vmem>>, %arg6: memref<64x8192xf32, #tpu.memory_space<vmem>>, %arg7: memref<512xi32, #tpu.memory_space<vmem>>) attributes {dimension_semantics = [#tpu.dimension_semantics<arbitrary>], iteration_bounds = array<i64: 32>, scalar_prefetch = 0 : i64, scratch_operands = 0 : i64, tpu.core_type = #tpu.core_type<tc>, window_params = [{transform_indices = @transform_0, window_bounds = array<i64: 512, 256>}, {pipeline_mode = #tpu.pipeline_mode<synchronous>, transform_indices = @transform_1, window_bounds = array<i64: 256, 64>}, {pipeline_mode = #tpu.pipeline_mode<synchronous>, transform_indices = @transform_2, window_bounds = array<i64: 1, 64>}, {pipeline_mode = #tpu.pipeline_mode<synchronous>, transform_indices = @transform_3, window_bounds = array<i64: 64, 64>}, {pipeline_mode = #tpu.pipeline_mode<synchronous>, transform_indices = @transform_4, window_bounds = array<i64: 1, 64>}, {pipeline_mode = #tpu.pipeline_mode<synchronous>, transform_indices = @transform_5, window_bounds = array<i64: 64, 8192>}, {transform_indices = @transform_6, window_bounds = array<i64: 512>}]} {
    %get3A = arith.constant 0 : index
    %get3A_0 = arith.constant 0 : index
    %get3A_1 = vector.load %arg1[%get3A, %get3A_0] : memref<512x256xf32, #tpu.memory_space<vmem>>, vector<512x256xf32>
    %convert_element_type3A = arith.truncf %get3A_1 : vector<512x256xf32> to vector<512x256xbf16>
    %get3A_2 = arith.constant 0 : index
    %get3A_3 = arith.constant 0 : index
    %get3A_4 = vector.load %arg2[%get3A_2, %get3A_3] : memref<256x64xf32, #tpu.memory_space<vmem>>, vector<256x64xf32>
    %convert_element_type3A_5 = arith.truncf %get3A_4 : vector<256x64xf32> to vector<256x64xbf16>
    %dot_general3A = arith.constant dense<0.000000e+00> : vector<512x64xf32>
    %dot_general3A_6 = tpu.matmul %convert_element_type3A, %convert_element_type3A_5, %dot_general3A {dimension_numbers = #tpu.dot_dimension_numbers<[1], [0], [0], [1], [0, 0, 1, 1], [], []>, transpose_lhs_hint = false} : vector<512x256xbf16>, vector<256x64xbf16>, vector<512x64xf32> -> vector<512x64xf32>
    %get3A_7 = arith.constant 0 : index
    %get3A_8 = arith.constant 0 : index
    %get3A_9 = vector.load %arg3[%get3A_7, %get3A_8] : memref<1x64xf32, #tpu.memory_space<vmem>>, vector<1x64xf32>
    %add3A = vector.broadcast %get3A_9 : vector<1x64xf32> to vector<512x64xf32>
    %add3A_10 = arith.addf %dot_general3A_6, %add3A : vector<512x64xf32>
    %tanh3A = math.tanh %add3A_10 : vector<512x64xf32>
    %convert_element_type3A_11 = arith.truncf %tanh3A : vector<512x64xf32> to vector<512x64xbf16>
    %get3A_12 = arith.constant 0 : index
    %get3A_13 = arith.constant 0 : index
    %get3A_14 = vector.load %arg4[%get3A_12, %get3A_13] : memref<64x64xf32, #tpu.memory_space<vmem>>, vector<64x64xf32>
    %convert_element_type3A_15 = arith.truncf %get3A_14 : vector<64x64xf32> to vector<64x64xbf16>
    %dot_general3A_16 = arith.constant dense<0.000000e+00> : vector<512x64xf32>
    %dot_general3A_17 = tpu.matmul %convert_element_type3A_11, %convert_element_type3A_15, %dot_general3A_16 {dimension_numbers = #tpu.dot_dimension_numbers<[1], [0], [0], [1], [0, 0, 1, 1], [], []>, transpose_lhs_hint = false} : vector<512x64xbf16>, vector<64x64xbf16>, vector<512x64xf32> -> vector<512x64xf32>
    %get3A_18 = arith.constant 0 : index
    %get3A_19 = arith.constant 0 : index
    %get3A_20 = vector.load %arg5[%get3A_18, %get3A_19] : memref<1x64xf32, #tpu.memory_space<vmem>>, vector<1x64xf32>
    %add3A_21 = vector.broadcast %get3A_20 : vector<1x64xf32> to vector<512x64xf32>
    %add3A_22 = arith.addf %dot_general3A_17, %add3A_21 : vector<512x64xf32>
    %get3A_23 = arith.constant 0 : index
    %get3A_24 = arith.constant 0 : index
    %get3A_25 = vector.load %arg6[%get3A_23, %get3A_24] : memref<64x8192xf32, #tpu.memory_space<vmem>>, vector<64x8192xf32>
    %mul3A = arith.mulf %get3A_25, %get3A_25 : vector<64x8192xf32>
    %reduce_sum3A = arith.constant dense<0.000000e+00> : vector<8192xf32>
    %reduce_sum3A_26 = vector.multi_reduction <add>, %mul3A, %reduce_sum3A [0] : vector<64x8192xf32> to vector<8192xf32>
    %mul3A_27 = arith.mulf %add3A_22, %add3A_22 : vector<512x64xf32>
    %reduce_sum3A_28 = arith.constant dense<0.000000e+00> : vector<512xf32>
    %reduce_sum3A_29 = vector.multi_reduction <add>, %mul3A_27, %reduce_sum3A_28 [1] : vector<512x64xf32> to vector<512xf32>
    %broadcast_in_dim3A = vector.shape_cast %reduce_sum3A_29 : vector<512xf32> to vector<512x1xf32>
    %convert_element_type3A_30 = arith.truncf %add3A_22 : vector<512x64xf32> to vector<512x64xbf16>
    %convert_element_type3A_31 = arith.truncf %get3A_25 : vector<64x8192xf32> to vector<64x8192xbf16>
    %dot_general3A_32 = arith.constant dense<0.000000e+00> : vector<512x8192xf32>
    %dot_general3A_33 = tpu.matmul %convert_element_type3A_30, %convert_element_type3A_31, %dot_general3A_32 {dimension_numbers = #tpu.dot_dimension_numbers<[1], [0], [0], [1], [0, 0, 1, 1], [], []>, transpose_lhs_hint = false} : vector<512x64xbf16>, vector<64x8192xbf16>, vector<512x8192xf32> -> vector<512x8192xf32>
    %mul3A_34 = arith.constant 2.000000e+00 : f32
    %mul3A_35 = vector.broadcast %mul3A_34 : f32 to vector<512x8192xf32>
    %mul3A_36 = arith.mulf %mul3A_35, %dot_general3A_33 : vector<512x8192xf32>
    %sub3A = vector.broadcast %broadcast_in_dim3A : vector<512x1xf32> to vector<512x8192xf32>
    %sub3A_37 = arith.subf %sub3A, %mul3A_36 : vector<512x8192xf32>
    %broadcast_in_dim3A_38 = vector.shape_cast %reduce_sum3A_26 : vector<8192xf32> to vector<1x8192xf32>
    %add3A_39 = vector.broadcast %broadcast_in_dim3A_38 : vector<1x8192xf32> to vector<512x8192xf32>
    %add3A_40 = arith.addf %sub3A_37, %add3A_39 : vector<512x8192xf32>
    %slice3A = vector.extract_strided_slice %add3A_40 {offsets = [0, 0], sizes = [512, 4096], strides = [1, 1]} : vector<512x8192xf32> to vector<512x4096xf32>
    %reduce_min3A = arith.constant dense<0x7F800000> : vector<512xf32>
    %reduce_min3A_41 = vector.multi_reduction <minimumf>, %slice3A, %reduce_min3A [1] : vector<512x4096xf32> to vector<512xf32>
    %broadcast_in_dim3A_42 = vector.shape_cast %reduce_min3A_41 : vector<512xf32> to vector<512x1xf32>
    %iota3A = tpu.iota {dimensions = array<i32: 1>} : vector<512x4096xi32>
    %le3A = vector.broadcast %broadcast_in_dim3A_42 : vector<512x1xf32> to vector<512x4096xf32>
    %le3A_43 = arith.cmpf ole, %slice3A, %le3A : vector<512x4096xf32>
    %jit3A = arith.constant 4096 : i32
    %broadcast_in_dim3A_44 = vector.broadcast %jit3A : i32 to vector<512x4096xi32>
    %select_n3A = arith.select %le3A_43, %iota3A, %broadcast_in_dim3A_44 : vector<512x4096xi1>, vector<512x4096xi32>
    %reduce_min3A_45 = arith.constant dense<2147483647> : vector<512xi32>
    %reduce_min3A_46 = vector.multi_reduction <minsi>, %select_n3A, %reduce_min3A_45 [1] : vector<512x4096xi32> to vector<512xi32>
    %add3A_47 = arith.constant 0 : i32
    %add3A_48 = vector.broadcast %add3A_47 : i32 to vector<512xi32>
    %add3A_49 = arith.addi %reduce_min3A_46, %add3A_48 : vector<512xi32>
    %squeeze3A = vector.shape_cast %broadcast_in_dim3A_42 : vector<512x1xf32> to vector<512xf32>
    %convert_element_type3A_50 = arith.truncf %squeeze3A : vector<512xf32> to vector<512xbf16>
    %convert_element_type3A_51 = arith.extf %convert_element_type3A_50 : vector<512xbf16> to vector<512xf32>
    %slice3A_52 = vector.extract_strided_slice %add3A_40 {offsets = [0, 4096], sizes = [512, 4096], strides = [1, 1]} : vector<512x8192xf32> to vector<512x4096xf32>
    %reduce_min3A_53 = arith.constant dense<0x7F800000> : vector<512xf32>
    %reduce_min3A_54 = vector.multi_reduction <minimumf>, %slice3A_52, %reduce_min3A_53 [1] : vector<512x4096xf32> to vector<512xf32>
    %broadcast_in_dim3A_55 = vector.shape_cast %reduce_min3A_54 : vector<512xf32> to vector<512x1xf32>
    %iota3A_56 = tpu.iota {dimensions = array<i32: 1>} : vector<512x4096xi32>
    %le3A_57 = vector.broadcast %broadcast_in_dim3A_55 : vector<512x1xf32> to vector<512x4096xf32>
    %le3A_58 = arith.cmpf ole, %slice3A_52, %le3A_57 : vector<512x4096xf32>
    %jit3A_59 = arith.constant 4096 : i32
    %broadcast_in_dim3A_60 = vector.broadcast %jit3A_59 : i32 to vector<512x4096xi32>
    %select_n3A_61 = arith.select %le3A_58, %iota3A_56, %broadcast_in_dim3A_60 : vector<512x4096xi1>, vector<512x4096xi32>
    %reduce_min3A_62 = arith.constant dense<2147483647> : vector<512xi32>
    %reduce_min3A_63 = vector.multi_reduction <minsi>, %select_n3A_61, %reduce_min3A_62 [1] : vector<512x4096xi32> to vector<512xi32>
    %add3A_64 = arith.constant 4096 : i32
    %add3A_65 = vector.broadcast %add3A_64 : i32 to vector<512xi32>
    %add3A_66 = arith.addi %reduce_min3A_63, %add3A_65 : vector<512xi32>
    %squeeze3A_67 = vector.shape_cast %broadcast_in_dim3A_55 : vector<512x1xf32> to vector<512xf32>
    %lt3A = arith.cmpf olt, %squeeze3A_67, %convert_element_type3A_51 : vector<512xf32>
    %select_n3A_68 = arith.select %lt3A, %add3A_66, %add3A_49 : vector<512xi1>, vector<512xi32>
    %swap3A = arith.constant 0 : index
    %swap3A_69 = vector.load %arg7[%swap3A] : memref<512xi32, #tpu.memory_space<vmem>>, vector<512xi32>
    tpu.vector_store %arg7[%swap3A], %select_n3A_68 {strides = array<i32>} : memref<512xi32, #tpu.memory_space<vmem>>, vector<512xi32>,
    return
  }
  func.func @transform_0(%arg0: i32) -> (i32, i32) {
    %c0_i32 = arith.constant 0 : i32
    %c0_i32_0 = arith.constant 0 : i32
    return %arg0, %c0_i32 : i32, i32
  }
  func.func @transform_1(%arg0: i32) -> (i32, i32) {
    %c0_i32 = arith.constant 0 : i32
    %c0_i32_0 = arith.constant 0 : i32
    %c0_i32_1 = arith.constant 0 : i32
    return %c0_i32, %c0_i32_0 : i32, i32
  }
  func.func @transform_2(%arg0: i32) -> (i32, i32) {
    %c0_i32 = arith.constant 0 : i32
    %c0_i32_0 = arith.constant 0 : i32
    %c0_i32_1 = arith.constant 0 : i32
    return %c0_i32, %c0_i32_0 : i32, i32
  }
  func.func @transform_3(%arg0: i32) -> (i32, i32) {
    %c0_i32 = arith.constant 0 : i32
    %c0_i32_0 = arith.constant 0 : i32
    %c0_i32_1 = arith.constant 0 : i32
    return %c0_i32, %c0_i32_0 : i32, i32
  }
  func.func @transform_4(%arg0: i32) -> (i32, i32) {
    %c0_i32 = arith.constant 0 : i32
    %c0_i32_0 = arith.constant 0 : i32
    %c0_i32_1 = arith.constant 0 : i32
    return %c0_i32, %c0_i32_0 : i32, i32
  }
  func.func @transform_5(%arg0: i32) -> (i32, i32) {
    %c0_i32 = arith.constant 0 : i32
    %c0_i32_0 = arith.constant 0 : i32
    %c0_i32_1 = arith.constant 0 : i32
    return %c0_i32, %c0_i32_0 : i32, i32
  }
  func.func @transform_6(%arg0: i32) -> i32 {
    %c0_i32 = arith.constant 0 : i32
    return %arg0 : i32
  }
}

</mosaic_0001>

<sc_bundles>
// kernel: kernel.4.cloned.1.call-start
scs
__scs_entry_jumppad:
0x0: {  	(pc) =	sbr.rel $0x88, $3  }
0x1: {  	(tag) =	ssettag $0x0;
	lr =	simm.s32 $0x1  }
0x2: {  	[smem:$0x3F9B] =	sst lr;
	_ =	strace $0xD0000000  }
0x3: {  	_ = 	snop  }
0x4: {  	_ = 	snop  }
0x5: {  	_ = 	snop  }
0x6: {  	_ = 	snop  }
0x7: {  	_ = 	snop  }
__scs_overlays_trampoline_lowered:
0x8: {  	[smem:$0x3FAA] =	sst s0  }
0x9: {  	[smem:$0x3FAB] =	sst s1  }
0xa: {  	[smem:$0x3FAC] =	sst s2  }
0xb: {  	[smem:$0x3FAD] =	sst s3  }
0xc: {  	[smem:$0x3FAE] =	sst s4  }
0xd: {  	[smem:$0x3FAF] =	sst s5  }
0xe: {  	[smem:$0x3FB0] =	sst s6  }
0xf: {  	[smem:$0x3FB1] =	sst s7  }
0x10: {  	[smem:$0x3FB2] =	sst s8  }
0x11: {  	[smem:$0x3FB3] =	sst s9;
	s0 =	simm.s32 @!p0 $0x0  }
0x12: {  	s1 =	sld [smem:$0x3F99];
	s0 =	simm.s32 @p0 $0x1  }
0x13: {  	[smem:$0x3FB4] =	sst s0;
	s0 =	simm.s32 @!p1 $0x0  }
0x14: {  	s2 =	sld [smem:$0x3F98];
	s0 =	simm.s32 @p1 $0x1  }
0x15: {  	[smem:$0x3FB5] =	sst s0;
	s0 =	simm.s32 @!p2 $0x0  }
0x16: {  	s3 =	sld [smem:$0x3FDB];
	s0 =	simm.s32 @p2 $0x1  }
0x17: {  	s4 =	simm.s32 $0x1BF5;
	[smem:$0x3FB7] =	sst s0  }
0x18: {  	s0 =	sld [smem:$0x3F9A];
	_ =	swait.ge [sflag:s4], $0x0  }
0x19: {  	s7 =	sld [smem:$0x3F9B]  }
0x1a: {  	s8 =	sadd.s32 $0xFFFFE003, lr  }
0x1b: {  	s9 =	sadd.s32 $0xFFFFFEF7, lr;
	s5 =	simm.s32 $0xFFFFFFFF;
	p2 =	slt.u32 s8, $0xFFFFF086  }
0x1c: {  	p1 =	slt.u32 s9, $0xF7A;
	s5 =	simm.s32 @!p2 $0x0  }
0x1d: {  	s5 =	simm.s32 @p1 $0x1;
	p0 =	seq.s32 s7, s2  }
0x1e: {  	s7 =	smul.u32 @!p0 $0xF7A, s2;
	p2 =	seq.s32 @!p0 s5, $0x0  }
0x1f: {  	s9 =	smul.u32 $0xF7A, s1;
	s8 =	simm.s32 @!p0 $0x1BF5;
	p2 =	por !p2, p0  }
0x20: {  	[sflag:s8] =	ssyncset.s32 @!p0 $0xFFFFF086;
	s6 =	sadd.s32 @!p0 s3, s7;
	s7 =	simm.s32 @!p0 $0x108  }
0x21: {  	s3 =	sadd.s32 s3, s9;
	s6 =	sadd.s32 @!p0 $0x88, s6;
	s7 =	simm.s32 @p2 $0x1082  }
0x22: {  	[simem:s7], [sflag:s8] =	dma.local @!p0 [hbm:s6], $0xF7A  }
0x23: {  	s9 =	sor.u32 $0xD0000000, s2;
	s6 =	simm.s32 $0x108;
	_ =	swait.ge @!p0 [sflag:s8], $0x0  }
0x24: {  	s3 =	sadd.s32 $0x88, s3;
	s6 =	simm.s32 @!p1 $0x1082;
	[sflag:s4] =	ssyncset.s32 $0xFFFFF086  }
0x25: {  	[simem:s6], [sflag:s4] =	dma.local [hbm:s3], $0xF7A  }
0x26: {  	[smem:$0x3F9B] =	sst s1;
	(tag) =	ssettag s2;
	_ =	strace s9  }
0x27: {  	s1 =	sld [smem:$0x3FAB]  }
0x28: {  	s2 =	sld [smem:$0x3FAC]  }
0x29: {  	s4 =	sld [smem:$0x3FAE]  }
0x2a: {  	p0 =	seq.s32 s5, $0x0;
	s5 =	sld [smem:$0x3FAF]  }
0x2b: {  	s6 =	sld [smem:$0x3FB0]  }
0x2c: {  	s7 =	sld [smem:$0x3FB1]  }
0x2d: {  	s3 =	simm.s32 $0x108;
	s8 =	sld [smem:$0x3FB2]  }
0x2e: {  	s3 =	simm.s32 @!p0 $0x1082;
	s9 =	sld [smem:$0x3FB3]  }
0x2f: {  	lr =	sadd.s32 s0, s3;
	s0 =	sld [smem:$0x3FAA]  }
0x30: {  	s3 =	sld [smem:$0x3FAD]  }
0x31: {  	[smem:$0x3FB6] =	sst s10  }
0x32: {  	s10 =	sld [smem:$0x3FB4];
	_ =	sdelay $0x3  }
0x33: {  	p0 =	seq.s32 s10, $0x1;
	s10 =	sld [smem:$0x3FB6];
	_ =	sdelay $0x3  }
0x34: {  	[smem:$0x3FB6] =	sst s10  }
0x35: {  	s10 =	sld [smem:$0x3FB5];
	_ =	sdelay $0x3  }
0x36: {  	p1 =	seq.s32 s10, $0x1;
	s10 =	sld [smem:$0x3FB6];
	_ =	sdelay $0x3  }
0x37: {  	[smem:$0x3FB6] =	sst s10  }
0x38: {  	s10 =	sld [smem:$0x3FB7]  }
0x39: {  	_ = 	snop;
	(pc) =	sbr.ind lr, $3  }
0x3a: {  	_ = 	snop  }
0x3b: {  	_ = 	snop  }
0x3c: {  	p2 =	seq.s32 s10, $0x1;
	s10 =	sld [smem:$0x3FB6]  }
0x3d: {  	_ =	shalt  }
0x3e: {  	_ =	shalt  }
0x3f: {  	_ =	shalt  }
0x40: {  	_ =	shalt  }
0x41: {  	_ =	shalt  }
0x42: {  	_ =	shalt  }
0x43: {  	_ =	shalt  }
0x44: {  	_ =	shalt  }
0x45: {  	_ =	shalt  }
0x46: {  	_ =	shalt  }
0x47: {  	_ =	shalt  }
0x48: {  	_ =	shalt  }
0x49: {  	_ =	shalt  }
0x4a: {  	_ =	shalt  }
0x4b: {  	_ =	shalt  }
0x4c: {  	_ =	shalt  }
0x4d: {  	_ =	shalt  }
0x4e: {  	_ =	shalt  }
0x4f: {  	_ =	shalt  }
0x50: {  	_ =	shalt  }
0x51: {  	_ =	shalt  }
0x52: {  	_ =	shalt  }
0x53: {  	_ =	shalt  }
0x54: {  	_ =	shalt  }
0x55: {  	_ =	shalt  }
0x56: {  	_ =	shalt  }
0x57: {  	_ =	shalt  }
0x58: {  	_ =	shalt  }
0x59: {  	_ =	shalt  }
0x5a: {  	_ =	shalt  }
0x5b: {  	_ =	shalt  }
0x5c: {  	_ =	shalt  }
0x5d: {  	_ =	shalt  }
0x5e: {  	_ =	shalt  }
0x5f: {  	_ =	shalt  }
0x60: {  	_ =	shalt  }
0x61: {  	_ =	shalt  }
0x62: {  	_ =	shalt  }
0x63: {  	_ =	shalt  }
0x64: {  	_ =	shalt  }
0x65: {  	_ =	shalt  }
0x66: {  	_ =	shalt  }
0x67: {  	_ =	shalt  }
0x68: {  	_ =	shalt  }
0x69: {  	_ =	shalt  }
0x6a: {  	_ =	shalt  }
0x6b: {  	_ =	shalt  }
0x6c: {  	_ =	shalt  }
0x6d: {  	_ =	shalt  }
0x6e: {  	_ =	shalt  }
0x6f: {  	_ =	shalt  }
0x70: {  	_ =	shalt  }
0x71: {  	_ =	shalt  }
0x72: {  	_ =	shalt  }
0x73: {  	_ =	shalt  }
0x74: {  	_ =	shalt  }
0x75: {  	_ =	shalt  }
0x76: {  	_ =	shalt  }
0x77: {  	_ =	shalt  }
0x78: {  	_ =	shalt  }
0x79: {  	_ =	shalt  }
0x7a: {  	_ =	shalt  }
0x7b: {  	_ =	shalt  }
0x7c: {  	_ =	shalt  }
0x7d: {  	_ =	shalt  }
0x7e: {  	_ =	shalt  }
0x7f: {  	_ =	shalt  }
0x80: {  	_ =	shalt  }
0x81: {  	_ =	shalt  }
0x82: {  	_ =	shalt  }
0x83: {  	_ =	shalt  }
0x84: {  	_ =	shalt  }
0x85: {  	_ =	shalt  }
0x86: {  	_ =	shalt  }
0x87: {  	_ =	shalt  }
.Lfunc_end0:
.L_simem_size_0:
called_computation_lowered:
.L_overlay_start_0:
0x88: {  	s2 =	sld [smem:$0x3FD9]  }
0x89: {  	s3 =	sld [smem:$0x3FFE];
	_ =	sdelay $0x1  }
0x8a: {  	s1 =	srdreg.scid  }
0x8b: {  	s0 =	sand.u32 $0x1, s1  }
0x8c: {  	s14 =	sshll.u32 s0, $0xA;
	s2 =	sadd.s32 s3, s2  }
0x8d: {  	s2 =	sadd.s32 s2, s14  }
0x8e: {  	[smem:$0x3FC2] =	sst s2  }
0x8f: {  	_ = 	snop  }
0x90: {  	s2 =	sld [smem:$0x3FD0];
	_ =	sdelay $0x2  }
0x91: {  	s15 =	simm.s32 $0xA;
	s4 =	simm.s32 $0x10  }
0x92: {  	[smem:s4], [sflag:s15] =	dma.local [hbm:s2], $0x1  }
0x93: {  	_ =	swait.eq [sflag:s15], $0x1  }
0x94: {  	[sflag:s15] =	ssyncset.done $0x0  }
0x95: {  	[sflag:s15] =	ssyncadd.s32 $0xFFFFFFFF  }
0x96: {  	s16 =	sld [smem:$0x10];
	(tm) =	ssettm $0x1  }
0x97: {  	s17 =	sld [smem:$0x3FFB];
	_ =	sdelay $0x3  }
0x98: {  	_ =	strace s17  }
0x99: {  	s3 =	sld [smem:$0x3FFC];
	_ =	sdelay $0x3  }
0x9a: {  	_ =	strace s3  }
0x9b: {  	s3 =	sld [smem:$0x3FFD];
	_ =	sdelay $0x3  }
0x9c: {  	_ =	strace s3  }
0x9d: {  	_ =	strace $0x8FFFFFFF  }
0x9e: {  	s18 =	sld [smem:$0x3FDB];
	_ =	sdelay $0x1  }
0x9f: {  	s19 =	simm.s32 $_scs_section_size  }
0xa0: {  	s5 =	simm.s32 $_size__tile_overlayer_lowered;
	s6 =	simm.s32 $_tile_overlayer_lowered  }
0xa1: {  	s22 =	simm.s32 $0x1BFF;
	s21 =	sshll.u32 s6, $0x1;
	s3 =	sadd.s32 s19, s18  }
0xa2: {  	s7 =	simm.s32 $0x0;
	s20 =	sshll.u32 s5, $0x1;
	s5 =	sadd.s32 s21, s3  }
0xa3: {  	[timem:s7], [sflag:s22] =	dma.local [hbm:s5], s20  }
0xa4: {  	_ =	swait.ge [sflag:s22], s20  }
0xa5: {  	s4 =	ssub.s32 $0x0, s20;
	[sflag:s22] =	ssyncset.done $0x0  }
0xa6: {  	[sflag:s22] =	ssyncadd.s32 s4;
	_ =	sdelay $0x1  }
0xa7: {  	s23 =	simm.s32 $0x1B8B  }
0xa8: {  	_ =	swait.ge [sflag:s23], $0x1  }
0xa9: {  	[sflag:s23] =	ssyncset.done $0x0  }
0xaa: {  	s25 =	simm.s32 $0x1B8E;
	s24 =	sld [smem:$0x3FFE];
	[sflag:s23] =	ssyncadd.s32 $0xFFFFFFFF  }
0xab: {  	s26 =	simm.s32 $execute0_lowered;
	[smem:$0x3FD2] =	sst s25  }
0xac: {  	s5 =	sshll.u32 s26, $0x1;
	_ =	strace $0x80000046;
	[dreg:$0x1] =	wrdreg $0xFFFFFFFF  }
0xad: {  	s28 =	simm.s32 $_size_execute0_lowered;
	s3 =	sadd.s32 s3, s5;
	[dreg:$0x0] =	wrdreg $0x0  }
0xae: {  	s5 =	sshll.u32 s28, $0x1;
	[dreg:$0x2] =	wrdreg s3  }
0xaf: {  	[dreg:$0x3] =	wrdreg s5  }
0xb0: {  	[dreg:$0x4] =	wrdreg $0xC0  }
0xb1: {  	_ =	task [dreg:s7], $0x5FFFF  }
0xb2: {  	[dreg:$0x1] =	wrdreg $0xFFFFFFFF  }
0xb3: {  	[dreg:$0x0] =	wrdreg $0x60  }
0xb4: {  	[dreg:$0x2] =	wrdreg s16  }
0xb5: {  	[dreg:$0x3] =	wrdreg s24  }
0xb6: {  	[dreg:$0x4] =	wrdreg $0x9  }
0xb7: {  	_ =	task.clear_ibuf [dreg:s7], $0x5FFFF;
	_ =	strace $0x90000046  }
0xb8: {  	s29 =	simm.s32 $0x9;
	_ =	strace $0x80000048  }
0xb9: {  	_ =	swait.ge [sflag:s29], $0x1  }
0xba: {  	[sflag:s29] =	ssyncadd.s32 $0xFFFFFFFF  }
0xbb: {  	_ =	strace $0x90000048  }
0xbc: {  	_ =	sfence  }
0xbd: {  	s30 =	sld [smem:$0x0];
	_ =	sdelay $0x2  }
0xbe: {  	s31 =	sshll.u32 s1, $0xD;
	s1 =	sshrl.u32 s1, $0x2  }
0xbf: {  	s3 =	sand.u32 $0x4000, s31;
	s1 =	sadd.s32 s1, s30  }
0xc0: {  	s0 =	sor.u32 s3, s0;
	s1 =	sshll.u32 s1, $0x11  }
0xc1: {  	s0 =	sor.u32 s1, s0  }
0xc2: {  	s0 =	sadd.s32 $0x8F2B, s0  }
0xc3: {  	[sflag:s0] =	ssyncadd.remote.s32 $0x1  }
0xc4: {  	_ =	sfence.sel $0xFFFF  }
0xc5: {  	[dreg:$0x0] =	wrdreg $0xFFFFFFFF;
	(pc) =	sbr.abs _section_cstart, $3  }
0xc6: {  	[dreg:$0x1] =	wrdreg $0xFFFFFFFF  }
0xc7: {  	_ =	task.clear_ibuf [dreg:s7], $0x2FFFF;
	_ =	strace $0x9FFFFFFF  }
0xc8: {  	(tm) =	ssettm $0x7FFFFFFF  }
0xc9: {  	_ =	shalt  }
tec
execute0_lowered:
.L_overlay_start_1:
0x0: {  	(tag) =	ssettag $0x1  }
0x1: {  	s3 =	srdreg.scid  }
0x2: {  	s2 =	rddreg [dreg:$0x0];
	s1 =	stileid.u32;
	s14 =	sand.u32 $0x1, s3  }
0x3: {  	s8 =	rddreg [dreg:$0x1];
	s13 =	sshll.u32 s1, $0xA;
	s4 =	sshll.u32 s14, $0x9  }
0x4: {  	s0 =	rddreg [dreg:$0x2];
	s3 =	simm.s32 $0x0;
	s4 =	sor.u32 s4, s13  }
0x5: {  	s15 =	sadd.s32 $0x1200, s8;
	[smem:$0x7FF] =	sst s3;
	s4 =	sshrl.u32 s4, $0x3  }
0x6: {  	_ =	strace $0x80000047;
	s5 =	sadd.s32 s15, s4;
	s4 =	simm.s32 $0x2  }
0x7: {  	[tilespmem:s3], [sflag:$0x2] =	stream.linear.gather [hbm4b:s5+s3], $0x80, $0x38;
	[tilespmem:$0x4080] =	vst v63  }
0x8: {  	s6 =	sshll.u32 s1, $0x1;
	_ =	swait.ge [sflag:s4], $0x80  }
0x9: {  	s7 =	simm.s32 $0x1;
	s12 =	sor.u32 s14, s6;
	[sflag:s4] =	ssyncset.done $0x0  }
0xa: {  	s6 =	simm.s32 $0x80;
	s10 =	sshll.u32 s12, $0x2;
	[sflag:s4] =	ssyncadd.s32 $0xFFFFFF80  }
0xb: {  	[tilespmem:s6], [sflag:$0x1] =	stream.indirect.gather [hbm4b:s2+s6], $0x80, s3, s6, $0xb8;
	[tilespmem:$0x4080] =	vst v63  }
0xc: {  	s16 =	sadd.s32 $0x1A00, s8;
	s11 =	sor.u32 $0x1, s10;
	_ =	swait.ge [sflag:s7], $0x4000  }
0xd: {  	s24 =	sshll.u32 s12, $0xD;
	s9 =	sshll.u32 s11, $0x7;
	[sflag:s7] =	ssyncset.done $0x0  }
0xe: {  	s8 =	sadd.s32 s16, s24;
	s9 =	sand.u32 $0x280, s9;
	[sflag:s7] =	ssyncadd.s32 $0xFFFFC000  }
0xf: {  	[hbm4b:s8+s3] =	stream.linear.scatter [tilespmem:s6], [sflag:$0x2], $0x4000, $0x38;
	[tilespmem:$0x4080] =	vst v63  }
0x10: {  	s9 =	sor.u32 s13, s9;
	_ =	swait.ge [sflag:s4], $0x4000  }
0x11: {  	s9 =	sshrl.u32 s9, $0x3;
	[sflag:s4] =	ssyncset.done $0x0  }
0x12: {  	s9 =	sadd.s32 s15, s9;
	[sflag:s4] =	ssyncadd.s32 $0xFFFFC000  }
0x13: {  	[tilespmem:s3], [sflag:$0x2] =	stream.linear.gather [hbm4b:s9+s3], $0x80, $0x38;
	[tilespmem:$0x4080] =	vst v63  }
0x14: {  	_ =	swait.ge [sflag:s4], $0x80  }
0x15: {  	[sflag:s4] =	ssyncset.done $0x0  }
0x16: {  	[sflag:s4] =	ssyncadd.s32 $0xFFFFFF80  }
0x17: {  	[tilespmem:s6], [sflag:$0x1] =	stream.indirect.gather [hbm4b:s2+s6], $0x80, s3, s6, $0xb8;
	[tilespmem:$0x4080] =	vst v63  }
0x18: {  	s17 =	sor.u32 $0x2, s10;
	_ =	swait.ge [sflag:s7], $0x4000  }
0x19: {  	s25 =	sshll.u32 s11, $0xB;
	s26 =	sshll.u32 s17, $0x7;
	[sflag:s7] =	ssyncset.done $0x0  }
0x1a: {  	s10 =	sadd.s32 s16, s25;
	s11 =	sand.u32 $0x300, s26;
	[sflag:s7] =	ssyncadd.s32 $0xFFFFC000  }
0x1b: {  	[hbm4b:s10+s3] =	stream.linear.scatter [tilespmem:s6], [sflag:$0x2], $0x4000, $0x38;
	[tilespmem:$0x4080] =	vst v63  }
0x1c: {  	s11 =	sor.u32 s13, s11;
	_ =	swait.ge [sflag:s4], $0x4000  }
0x1d: {  	s11 =	sshrl.u32 s11, $0x3;
	[sflag:s4] =	ssyncset.done $0x0  }
0x1e: {  	s11 =	sadd.s32 s15, s11;
	[sflag:s4] =	ssyncadd.s32 $0xFFFFC000  }
0x1f: {  	[tilespmem:s3], [sflag:$0x2] =	stream.linear.gather [hbm4b:s11+s3], $0x80, $0x38;
	[tilespmem:$0x4080] =	vst v63  }
0x20: {  	_ =	swait.ge [sflag:s4], $0x80  }
0x21: {  	[sflag:s4] =	ssyncset.done $0x0  }
0x22: {  	[sflag:s4] =	ssyncadd.s32 $0xFFFFFF80  }
0x23: {  	[tilespmem:s6], [sflag:$0x1] =	stream.indirect.gather [hbm4b:s2+s6], $0x80, s3, s6, $0xb8;
	[tilespmem:$0x4080] =	vst v63  }
0x24: {  	s18 =	sshllo.u32 s12, $0x2;
	_ =	swait.ge [sflag:s7], $0x4000  }
0x25: {  	s29 =	sshll.u32 s18, $0x7;
	s28 =	sshll.u32 s17, $0xB;
	[sflag:s7] =	ssyncset.done $0x0  }
0x26: {  	s17 =	sand.u32 $0x380, s29;
	s12 =	sadd.s32 s16, s28;
	[sflag:s7] =	ssyncadd.s32 $0xFFFFC000  }
0x27: {  	[hbm4b:s12+s3] =	stream.linear.scatter [tilespmem:s6], [sflag:$0x2], $0x4000, $0x38;
	[tilespmem:$0x4080] =	vst v63  }
0x28: {  	s13 =	sor.u32 s13, s17;
	_ =	swait.ge [sflag:s4], $0x4000  }
0x29: {  	s13 =	sshrl.u32 s13, $0x3;
	[sflag:s4] =	ssyncset.done $0x0  }
0x2a: {  	s14 =	ssub.s32 $0x2, s14;
	s13 =	sadd.s32 s15, s13;
	[sflag:s4] =	ssyncadd.s32 $0xFFFFC000  }
0x2b: {  	[tilespmem:s3], [sflag:$0x2] =	stream.linear.gather [hbm4b:s13+s3], $0x80, $0x38;
	[tilespmem:$0x4080] =	vst v63  }
0x2c: {  	s30 =	sshrl.u32 s14, $0x1;
	_ =	swait.ge [sflag:s4], $0x80  }
0x2d: {  	s15 =	ssub.s32 s14, s30;
	[sflag:s4] =	ssyncset.done $0x0  }
0x2e: {  	s15 =	smax.u32 s15, $0x1;
	[sflag:s4] =	ssyncadd.s32 $0xFFFFFF80  }
0x2f: {  	[tilespmem:s6], [sflag:$0x1] =	stream.indirect.gather [hbm4b:s2+s6], $0x80, s3, s6, $0xb8;
	[tilespmem:$0x4080] =	vst v63  }
0x30: {  	p0 =	sne.s32 s15, $0x1;
	_ =	swait.ge [sflag:s7], $0x4000  }
.Ltmp0:
0x31: {  	s31 =	sshll.u32 s18, $0xB;
	[sflag:s7] =	ssyncset.done $0x0;
	(pc) =	sbr.rel @!p0 .LBB2_2-.Ltmp0, $4  }
0x32: {  	s14 =	sadd.s32 s16, s31;
	[sflag:s7] =	ssyncadd.s32 $0xFFFFC000  }
0x33: {  	[hbm4b:s14+s3] =	stream.linear.scatter [tilespmem:s6], [sflag:$0x2], $0x4000, $0x38;
	[tilespmem:$0x4080] =	vst v63  }
0x34: {  	_ =	swait.ge [sflag:s4], $0x4000  }
0x35: {  	s15 =	sadd.s32 $0xFFFFFFFF, s15;
	[sflag:s4] =	ssyncset.done $0x0  }
.LBB2_1:
0x36: {  	p0 =	sne.s32 s15, $0x1;
	s15 =	sadd.s32 $0xFFFFFFFF, s15;
	[sflag:s4] =	ssyncadd.s32 $0xFFFFC000  }
0x37: {  	[tilespmem:s3], [sflag:$0x2] =	stream.linear.gather [hbm4b:s5+s3], $0x80, $0x38;
	[tilespmem:$0x4080] =	vst v63  }
0x38: {  	_ =	swait.ge [sflag:s4], $0x80  }
0x39: {  	[sflag:s4] =	ssyncset.done $0x0  }
0x3a: {  	[sflag:s4] =	ssyncadd.s32 $0xFFFFFF80  }
0x3b: {  	[tilespmem:s6], [sflag:$0x1] =	stream.indirect.gather [hbm4b:s2+s6], $0x80, s3, s6, $0xb8;
	[tilespmem:$0x4080] =	vst v63  }
0x3c: {  	_ =	swait.ge [sflag:s7], $0x4000  }
0x3d: {  	[sflag:s7] =	ssyncset.done $0x0  }
0x3e: {  	[sflag:s7] =	ssyncadd.s32 $0xFFFFC000  }
0x3f: {  	[hbm4b:s8+s3] =	stream.linear.scatter [tilespmem:s6], [sflag:$0x2], $0x4000, $0x38;
	[tilespmem:$0x4080] =	vst v63  }
0x40: {  	_ =	swait.ge [sflag:s4], $0x4000  }
0x41: {  	[sflag:s4] =	ssyncset.done $0x0  }
0x42: {  	[sflag:s4] =	ssyncadd.s32 $0xFFFFC000  }
0x43: {  	[tilespmem:s3], [sflag:$0x2] =	stream.linear.gather [hbm4b:s9+s3], $0x80, $0x38;
	[tilespmem:$0x4080] =	vst v63  }
0x44: {  	_ =	swait.ge [sflag:s4], $0x80  }
0x45: {  	[sflag:s4] =	ssyncset.done $0x0  }
0x46: {  	[sflag:s4] =	ssyncadd.s32 $0xFFFFFF80  }
0x47: {  	[tilespmem:s6], [sflag:$0x1] =	stream.indirect.gather [hbm4b:s2+s6], $0x80, s3, s6, $0xb8;
	[tilespmem:$0x4080] =	vst v63  }
0x48: {  	_ =	swait.ge [sflag:s7], $0x4000  }
0x49: {  	[sflag:s7] =	ssyncset.done $0x0  }
0x4a: {  	[sflag:s7] =	ssyncadd.s32 $0xFFFFC000  }
0x4b: {  	[hbm4b:s10+s3] =	stream.linear.scatter [tilespmem:s6], [sflag:$0x2], $0x4000, $0x38;
	[tilespmem:$0x4080] =	vst v63  }
0x4c: {  	_ =	swait.ge [sflag:s4], $0x4000  }
0x4d: {  	[sflag:s4] =	ssyncset.done $0x0  }
0x4e: {  	[sflag:s4] =	ssyncadd.s32 $0xFFFFC000  }
0x4f: {  	[tilespmem:s3], [sflag:$0x2] =	stream.linear.gather [hbm4b:s11+s3], $0x80, $0x38;
	[tilespmem:$0x4080] =	vst v63  }
0x50: {  	_ =	swait.ge [sflag:s4], $0x80  }
0x51: {  	[sflag:s4] =	ssyncset.done $0x0  }
0x52: {  	[sflag:s4] =	ssyncadd.s32 $0xFFFFFF80  }
0x53: {  	[tilespmem:s6], [sflag:$0x1] =	stream.indirect.gather [hbm4b:s2+s6], $0x80, s3, s6, $0xb8;
	[tilespmem:$0x4080] =	vst v63  }
0x54: {  	_ =	swait.ge [sflag:s7], $0x4000  }
0x55: {  	[sflag:s7] =	ssyncset.done $0x0  }
0x56: {  	[sflag:s7] =	ssyncadd.s32 $0xFFFFC000  }
0x57: {  	[hbm4b:s12+s3] =	stream.linear.scatter [tilespmem:s6], [sflag:$0x2], $0x4000, $0x38;
	[tilespmem:$0x4080] =	vst v63  }
0x58: {  	_ =	swait.ge [sflag:s4], $0x4000  }
0x59: {  	[sflag:s4] =	ssyncset.done $0x0  }
0x5a: {  	[sflag:s4] =	ssyncadd.s32 $0xFFFFC000  }
0x5b: {  	[tilespmem:s3], [sflag:$0x2] =	stream.linear.gather [hbm4b:s13+s3], $0x80, $0x38;
	[tilespmem:$0x4080] =	vst v63  }
0x5c: {  	_ =	swait.ge [sflag:s4], $0x80  }
0x5d: {  	[sflag:s4] =	ssyncset.done $0x0  }
0x5e: {  	[sflag:s4] =	ssyncadd.s32 $0xFFFFFF80  }
0x5f: {  	[tilespmem:s6], [sflag:$0x1] =	stream.indirect.gather [hbm4b:s2+s6], $0x80, s3, s6, $0xb8;
	[tilespmem:$0x4080] =	vst v63  }
0x60: {  	_ =	swait.ge [sflag:s7], $0x4000  }
.Ltmp1:
0x61: {  	[sflag:s7] =	ssyncset.done $0x0;
	(pc) =	sbr.rel @p0 .LBB2_1-.Ltmp1, $4  }
0x62: {  	[sflag:s7] =	ssyncadd.s32 $0xFFFFC000  }
0x63: {  	[hbm4b:s14+s3] =	stream.linear.scatter [tilespmem:s6], [sflag:$0x2], $0x4000, $0x38;
	[tilespmem:$0x4080] =	vst v63  }
0x64: {  	_ =	swait.ge [sflag:s4], $0x4000  }
0x65: {  	[sflag:s4] =	ssyncset.done $0x0  }
.LBB2_2:
0x66: {  	[sflag:s4] =	ssyncadd.s32 $0xFFFFC000  }
0x67: {  	_ =	sfence.sel $0x180000  }
0x68: {  	[bflag:$0x0] =	sbarrier.arrive $0xFFFF  }
0x69: {  	p0 =	sne.s32 s1, $0x0;
	_ =	strace $0x90000047  }
0x6a: {  	s0 =	sadd.s32 @!p0 $0x100000, s0;
	[bflag:$0x2] =	sbarrier.arrive $0xFFFF  }
0x6b: {  	[sflag:s0] =	ssyncadd.tile.s32 @!p0 $0x1;
	_ =	shalt  }
.Lfunc_end2:
_tile_overlayer_lowered:
.L_overlay_start_2:
0x6c: {  	(tag) =	ssettag $0x2  }
0x6d: {  	s0 =	rddreg [dreg:$0x0];
	s2 =	stileid.u32  }
0x6e: {  	s1 =	rddreg [dreg:$0x1];
	p0 =	sne.s32 s2, $0x0  }
0x6f: {  	s3 =	rddreg [dreg:$0x2];
	[bflag:$0x3] =	sbarrier.arrive $0xFFFF;
	s2 =	simm.s32 @!p0 $0x1C02  }
0x70: {  	[timem:s3], [sflag:s2] =	dma.local @!p0 [hbm:s0], s1  }
0x71: {  	s0 =	simm.s32 @!p0 $0x2  }
0x72: {  	_ =	swait.ge @!p0 [sflag:s0], s1  }
0x73: {  	s1 =	ssub.s32 @!p0 $0x0, s1;
	[sflag:s0] =	ssyncset.done @!p0 $0x0  }
0x74: {  	[sflag:s0] =	ssyncadd.s32 @!p0 s1  }
0x75: {  	[bflag:$0x3] =	sbarrier.arrive $0xFFFF  }
0x76: {  	_ =	shalt  }

</sc_bundles>
